<compile_context>
chip_gen: v7x
topology: tpu7x:2x2x1
jax: 0.10.2.dev20260603
libtpu: 0.0.44.dev20260713+nightly
codegen_flags: <defaults>
</compile_context>

<pallas_src>
import functools

import jax
import jax.numpy as jnp
from jax import lax
from jax.experimental import pallas as pl
from jax.experimental.pallas import tpu as pltpu
from jax.experimental.pallas import tpu_sc as plsc

_INFO = plsc.get_sparse_core_info()
_NC = _INFO.num_cores
_NS = _INFO.num_subcores
_NW = _NC * _NS
_CH = 128
_NBUF = 4


@functools.lru_cache(maxsize=None)
def _build(n_rows: int, d: int):
  assert n_rows % (_NW * _CH) == 0
  chunks_per_w = n_rows // (_NW * _CH)
  assert chunks_per_w % _NBUF == 0 and chunks_per_w >= 2 * _NBUF

  mesh = plsc.VectorSubcoreMesh(core_axis_name="c", subcore_axis_name="s")

  @functools.partial(
      pl.kernel,
      out_type=jax.ShapeDtypeStruct((n_rows, d), jnp.float32),
      mesh=mesh,
      scratch_types=[
          pltpu.VMEM((chunks_per_w, _CH), jnp.int32),
          [pltpu.VMEM((_CH, d), jnp.float32)] * _NBUF,
          [pltpu.SemaphoreType.DMA] * _NBUF,
          [pltpu.SemaphoreType.DMA] * _NBUF,
      ],
  )
  def gather_kernel(table_hbm, idx_hbm, out_hbm, idx_v, bufs, gsems, osems):
    wid = lax.axis_index("s") * _NC + lax.axis_index("c")
    base = wid * chunks_per_w
    pltpu.sync_copy(idx_hbm.at[pl.ds(base, chunks_per_w)], idx_v)

    def start_gather(b, j):
      pltpu.async_copy(table_hbm.at[idx_v.at[j]], bufs[b], gsems[b])

    def wait_gather(b, j):
      pltpu.make_async_copy(table_hbm.at[idx_v.at[j]], bufs[b], gsems[b]).wait()

    def out_slice(j):
      return out_hbm.at[pl.ds((base + j) * _CH, _CH)]

    def start_writeback(b, j):
      pltpu.async_copy(bufs[b], out_slice(j), osems[b])

    def wait_writeback(b, j):
      pltpu.make_async_copy(bufs[b], out_slice(j), osems[b]).wait()

    for b in range(_NBUF):
      start_gather(b, b)

    @pl.loop(0, chunks_per_w - _NBUF, step=_NBUF)
    def _step(j0):
      for b in range(_NBUF):
        wait_gather(b, j0 + b)
        start_writeback(b, j0 + b)
      for b in range(_NBUF):
        wait_writeback(b, j0 + b)
        start_gather(b, j0 + _NBUF + b)

    j0 = chunks_per_w - _NBUF
    for b in range(_NBUF):
      wait_gather(b, j0 + b)
      start_writeback(b, j0 + b)
    for b in range(_NBUF):
      wait_writeback(b, j0 + b)

  return gather_kernel


def kernel(x, table):
  b, h = x.shape
  v, d = table.shape
  n_rows = b * h
  idx2d = x.reshape(n_rows // _CH, _CH).astype(jnp.int32)
  out = _build(n_rows, d)(table, idx2d)
  return out.reshape(b, h, d)

# --- scband reference (transcript-rebuilt; emitter-appended) ---
"""Pipeline reference for scband-token-embeddings-7645041787191 (READ-ONLY COPY).

The authoritative reference and input builder live on the scoring server;
editing this copy changes nothing except your own understanding.
"""

import jax, jax.numpy as jnp
import numpy as np

VOCAB_SIZE = 100000
OUTPUT_DIM = 128
BATCH = 4096
HIST_LEN = 200

def setup_inputs(seed: int = 0) -> dict:
    key = jax.random.key(seed)
    k_idx, k_tab = jax.random.split(key)
    x = jax.random.randint(k_idx, (BATCH, HIST_LEN), 0, VOCAB_SIZE, dtype=jnp.int64 if jax.config.read('jax_enable_x64') else jnp.int32)
    # nn.Embedding default init: N(0, 1)
    table = jax.random.normal(k_tab, (VOCAB_SIZE, OUTPUT_DIM), dtype=jnp.float32)
    return {"x": x, "table": table}

def reference(x, table):
    # TokenEmbeddings.forward: self.embedding(x) -> gather rows of table
    return jnp.take(table, x, axis=0)

if __name__ == "__main__":
    import jax
    _d = setup_inputs()
    print(jax.jit(kernel)(*tuple(_d.values())))

</pallas_src>

<mosaic_0001>
#map = affine_map<(d0, d1) -> (0, 0)>
module attributes {stable_mosaic.version = 14 : i64} {
  func.func @gather_kernel(%arg0: i32, %arg1: i32, %arg2: memref<100000x128xf32, #tpu.memory_space<hbm>>, %arg3: memref<6400x128xi32, #tpu.memory_space<hbm>>, %arg4: memref<819200x128xf32, #tpu.memory_space<hbm>>, %arg5: memref<200x128xi32, #tpu.memory_space<vmem>>, %arg6: memref<128x128xf32, #tpu.memory_space<vmem>>, %arg7: memref<128x128xf32, #tpu.memory_space<vmem>>, %arg8: memref<128x128xf32, #tpu.memory_space<vmem>>, %arg9: memref<128x128xf32, #tpu.memory_space<vmem>>, %arg10: memref<!tpu.dma_semaphore, #tpu.memory_space<semaphore_mem>>, %arg11: memref<!tpu.dma_semaphore, #tpu.memory_space<semaphore_mem>>, %arg12: memref<!tpu.dma_semaphore, #tpu.memory_space<semaphore_mem>>, %arg13: memref<!tpu.dma_semaphore, #tpu.memory_space<semaphore_mem>>, %arg14: memref<!tpu.dma_semaphore, #tpu.memory_space<semaphore_mem>>, %arg15: memref<!tpu.dma_semaphore, #tpu.memory_space<semaphore_mem>>, %arg16: memref<!tpu.dma_semaphore, #tpu.memory_space<semaphore_mem>>, %arg17: memref<!tpu.dma_semaphore, #tpu.memory_space<semaphore_mem>>) attributes {dimension_semantics = [#tpu.dimension_semantics<core_parallel>, #tpu.dimension_semantics<subcore_parallel>], iteration_bounds = array<i64: 2, 16>, scalar_prefetch = 0 : i64, scratch_operands = 13 : i64, tpu.core_type = #tpu.core_type<sc_vector_subcore>, window_params = [{transform_indices = #map}, {transform_indices = #map}, {transform_indices = #map}]} {
    %mul3A = arith.constant 2 : i32
    %mul3A_0 = arith.muli %arg1, %mul3A : i32
    %add3A = arith.addi %mul3A_0, %arg0 : i32
    %mul3A_1 = arith.constant 200 : i32
    %mul3A_2 = arith.muli %add3A, %mul3A_1 : i32
    "tpu.region"() ({
      %run_scoped3A = tpu.sem_alloc : memref<!tpu.dma_semaphore, #tpu.memory_space<semaphore_mem>>
      %dma_start3A_125 = arith.constant 0 : i32
      %dma_start3A_126 = tpu.memref_slice %arg3[%mul3A_2, %dma_start3A_125] : memref<6400x128xi32, #tpu.memory_space<hbm>> -> memref<200x128xi32, #tpu.memory_space<hbm>>
      %dma_start3A_127 = arith.constant 0 : i32
      %dma_start3A_128 = tpu.memref_slice %arg3[%mul3A_2, %dma_start3A_127] : memref<6400x128xi32, #tpu.memory_space<hbm>> -> memref<200x128xi32, #tpu.memory_space<hbm>>
      tpu.enqueue_dma source(%dma_start3A_128 : memref<200x128xi32, #tpu.memory_space<hbm>>) target(%arg5 : memref<200x128xi32, #tpu.memory_space<vmem>>) target_semaphore(%run_scoped3A : memref<!tpu.dma_semaphore, #tpu.memory_space<semaphore_mem>>)
      %dma_wait3A_129 = arith.constant 0 : i32
      %dma_wait3A_130 = tpu.memref_slice %arg3[%mul3A_2, %dma_wait3A_129] : memref<6400x128xi32, #tpu.memory_space<hbm>> -> memref<200x128xi32, #tpu.memory_space<hbm>>
      %dma_wait3A_131 = arith.constant 0 : i32
      %dma_wait3A_132 = tpu.memref_slice %arg3[%mul3A_2, %dma_wait3A_131] : memref<6400x128xi32, #tpu.memory_space<hbm>> -> memref<200x128xi32, #tpu.memory_space<hbm>>
      tpu.wait_dma2 semaphore(%run_scoped3A : memref<!tpu.dma_semaphore, #tpu.memory_space<semaphore_mem>>) src(%dma_wait3A_132 : memref<200x128xi32, #tpu.memory_space<hbm>>) dst(%arg5 : memref<200x128xi32, #tpu.memory_space<vmem>>)
      tpu.yield
    }) : () -> ()
    %dma_start3A = arith.constant 0 : i32
    %dma_start3A_3 = arith.constant 0 : i32
    %dma_start3A_4 = tpu.memref_slice %arg5[%dma_start3A, %dma_start3A_3] : memref<200x128xi32, #tpu.memory_space<vmem>> -> memref<1x128xi32, #tpu.memory_space<vmem>>
    %dma_start3A_5 = tpu.memref_squeeze %dma_start3A_4 : memref<1x128xi32, #tpu.memory_space<vmem>> -> memref<128xi32, #tpu.memory_space<vmem>>
    %dma_start3A_6 = arith.constant 0 : i32
    %dma_start3A_7 = arith.constant 0 : i32
    %dma_start3A_8 = tpu.memref_slice %arg2[%dma_start3A_6, %dma_start3A_7] : memref<100000x128xf32, #tpu.memory_space<hbm>> -> memref<100000x128xf32, #tpu.memory_space<hbm>>
    tpu.enqueue_indirect_dma source(%dma_start3A_8 : memref<100000x128xf32, #tpu.memory_space<hbm>>) target(%arg6 : memref<128x128xf32, #tpu.memory_space<vmem>>) offsets(%dma_start3A_5 : memref<128xi32, #tpu.memory_space<vmem>>) semaphore(%arg10 : memref<!tpu.dma_semaphore, #tpu.memory_space<semaphore_mem>>)
    %dma_start3A_9 = arith.constant 1 : i32
    %dma_start3A_10 = arith.constant 0 : i32
    %dma_start3A_11 = tpu.memref_slice %arg5[%dma_start3A_9, %dma_start3A_10] : memref<200x128xi32, #tpu.memory_space<vmem>> -> memref<1x128xi32, #tpu.memory_space<vmem>>
    %dma_start3A_12 = tpu.memref_squeeze %dma_start3A_11 : memref<1x128xi32, #tpu.memory_space<vmem>> -> memref<128xi32, #tpu.memory_space<vmem>>
    %dma_start3A_13 = arith.constant 0 : i32
    %dma_start3A_14 = arith.constant 0 : i32
    %dma_start3A_15 = tpu.memref_slice %arg2[%dma_start3A_13, %dma_start3A_14] : memref<100000x128xf32, #tpu.memory_space<hbm>> -> memref<100000x128xf32, #tpu.memory_space<hbm>>
    tpu.enqueue_indirect_dma source(%dma_start3A_15 : memref<100000x128xf32, #tpu.memory_space<hbm>>) target(%arg7 : memref<128x128xf32, #tpu.memory_space<vmem>>) offsets(%dma_start3A_12 : memref<128xi32, #tpu.memory_space<vmem>>) semaphore(%arg11 : memref<!tpu.dma_semaphore, #tpu.memory_space<semaphore_mem>>)
    %dma_start3A_16 = arith.constant 2 : i32
    %dma_start3A_17 = arith.constant 0 : i32
    %dma_start3A_18 = tpu.memref_slice %arg5[%dma_start3A_16, %dma_start3A_17] : memref<200x128xi32, #tpu.memory_space<vmem>> -> memref<1x128xi32, #tpu.memory_space<vmem>>
    %dma_start3A_19 = tpu.memref_squeeze %dma_start3A_18 : memref<1x128xi32, #tpu.memory_space<vmem>> -> memref<128xi32, #tpu.memory_space<vmem>>
    %dma_start3A_20 = arith.constant 0 : i32
    %dma_start3A_21 = arith.constant 0 : i32
    %dma_start3A_22 = tpu.memref_slice %arg2[%dma_start3A_20, %dma_start3A_21] : memref<100000x128xf32, #tpu.memory_space<hbm>> -> memref<100000x128xf32, #tpu.memory_space<hbm>>
    tpu.enqueue_indirect_dma source(%dma_start3A_22 : memref<100000x128xf32, #tpu.memory_space<hbm>>) target(%arg8 : memref<128x128xf32, #tpu.memory_space<vmem>>) offsets(%dma_start3A_19 : memref<128xi32, #tpu.memory_space<vmem>>) semaphore(%arg12 : memref<!tpu.dma_semaphore, #tpu.memory_space<semaphore_mem>>)
    %dma_start3A_23 = arith.constant 3 : i32
    %dma_start3A_24 = arith.constant 0 : i32
    %dma_start3A_25 = tpu.memref_slice %arg5[%dma_start3A_23, %dma_start3A_24] : memref<200x128xi32, #tpu.memory_space<vmem>> -> memref<1x128xi32, #tpu.memory_space<vmem>>
    %dma_start3A_26 = tpu.memref_squeeze %dma_start3A_25 : memref<1x128xi32, #tpu.memory_space<vmem>> -> memref<128xi32, #tpu.memory_space<vmem>>
    %dma_start3A_27 = arith.constant 0 : i32
    %dma_start3A_28 = arith.constant 0 : i32
    %dma_start3A_29 = tpu.memref_slice %arg2[%dma_start3A_27, %dma_start3A_28] : memref<100000x128xf32, #tpu.memory_space<hbm>> -> memref<100000x128xf32, #tpu.memory_space<hbm>>
    tpu.enqueue_indirect_dma source(%dma_start3A_29 : memref<100000x128xf32, #tpu.memory_space<hbm>>) target(%arg9 : memref<128x128xf32, #tpu.memory_space<vmem>>) offsets(%dma_start3A_26 : memref<128xi32, #tpu.memory_space<vmem>>) semaphore(%arg13 : memref<!tpu.dma_semaphore, #tpu.memory_space<semaphore_mem>>)
    %scan3A = arith.constant 0 : i32
    %scan3A_30 = arith.constant 49 : i32
    %scan3A_31 = arith.addi %scan3A, %scan3A_30 : i32
    %scan3A_32 = arith.constant 1 : i32
    scf.for %scan3A_125 = %scan3A to %scan3A_31 step %scan3A_32  : i32 {
      %mul3A_126 = arith.constant 4 : i32
      %mul3A_127 = arith.muli %scan3A_125, %mul3A_126 : i32
      %add3A_128 = arith.constant 0 : i32
      %add3A_129 = arith.addi %add3A_128, %mul3A_127 : i32
      %add3A_130 = arith.constant 0 : i32
      %add3A_131 = arith.addi %add3A_129, %add3A_130 : i32
      %dma_wait3A_132 = arith.constant 0 : i32
      %dma_wait3A_133 = tpu.memref_slice %arg5[%add3A_131, %dma_wait3A_132] : memref<200x128xi32, #tpu.memory_space<vmem>> -> memref<1x128xi32, #tpu.memory_space<vmem>>
      %dma_wait3A_134 = tpu.memref_squeeze %dma_wait3A_133 : memref<1x128xi32, #tpu.memory_space<vmem>> -> memref<128xi32, #tpu.memory_space<vmem>>
      %dma_wait3A_135 = arith.constant 0 : i32
      %dma_wait3A_136 = arith.constant 0 : i32
      %dma_wait3A_137 = tpu.memref_slice %arg2[%dma_wait3A_135, %dma_wait3A_136] : memref<100000x128xf32, #tpu.memory_space<hbm>> -> memref<100000x128xf32, #tpu.memory_space<hbm>>
      tpu.wait_indirect_dma semaphore(%arg10 : memref<!tpu.dma_semaphore, #tpu.memory_space<semaphore_mem>>) src(%dma_wait3A_137 : memref<100000x128xf32, #tpu.memory_space<hbm>>) dst(%arg6 : memref<128x128xf32, #tpu.memory_space<vmem>>)
      %add3A_138 = arith.constant 0 : i32
      %add3A_139 = arith.addi %add3A_129, %add3A_138 : i32
      %add3A_140 = arith.addi %mul3A_2, %add3A_139 : i32
      %mul3A_141 = arith.constant 128 : i32
      %mul3A_142 = arith.muli %add3A_140, %mul3A_141 : i32
      %dma_start3A_143 = arith.constant 0 : i32
      %dma_start3A_144 = tpu.memref_slice %arg4[%mul3A_142, %dma_start3A_143] : memref<819200x128xf32, #tpu.memory_space<hbm>> -> memref<128x128xf32, #tpu.memory_space<hbm>>
      %dma_start3A_145 = arith.constant 0 : i32
      %dma_start3A_146 = tpu.memref_slice %arg4[%mul3A_142, %dma_start3A_145] : memref<819200x128xf32, #tpu.memory_space<hbm>> -> memref<128x128xf32, #tpu.memory_space<hbm>>
      tpu.enqueue_dma source(%arg6 : memref<128x128xf32, #tpu.memory_space<vmem>>) target(%dma_start3A_146 : memref<128x128xf32, #tpu.memory_space<hbm>>) target_semaphore(%arg14 : memref<!tpu.dma_semaphore, #tpu.memory_space<semaphore_mem>>)
      %add3A_147 = arith.constant 1 : i32
      %add3A_148 = arith.addi %add3A_129, %add3A_147 : i32
      %dma_wait3A_149 = arith.constant 0 : i32
      %dma_wait3A_150 = tpu.memref_slice %arg5[%add3A_148, %dma_wait3A_149] : memref<200x128xi32, #tpu.memory_space<vmem>> -> memref<1x128xi32, #tpu.memory_space<vmem>>
      %dma_wait3A_151 = tpu.memref_squeeze %dma_wait3A_150 : memref<1x128xi32, #tpu.memory_space<vmem>> -> memref<128xi32, #tpu.memory_space<vmem>>
      %dma_wait3A_152 = arith.constant 0 : i32
      %dma_wait3A_153 = arith.constant 0 : i32
      %dma_wait3A_154 = tpu.memref_slice %arg2[%dma_wait3A_152, %dma_wait3A_153] : memref<100000x128xf32, #tpu.memory_space<hbm>> -> memref<100000x128xf32, #tpu.memory_space<hbm>>
      tpu.wait_indirect_dma semaphore(%arg11 : memref<!tpu.dma_semaphore, #tpu.memory_space<semaphore_mem>>) src(%dma_wait3A_154 : memref<100000x128xf32, #tpu.memory_space<hbm>>) dst(%arg7 : memref<128x128xf32, #tpu.memory_space<vmem>>)
      %add3A_155 = arith.constant 1 : i32
      %add3A_156 = arith.addi %add3A_129, %add3A_155 : i32
      %add3A_157 = arith.addi %mul3A_2, %add3A_156 : i32
      %mul3A_158 = arith.constant 128 : i32
      %mul3A_159 = arith.muli %add3A_157, %mul3A_158 : i32
      %dma_start3A_160 = arith.constant 0 : i32
      %dma_start3A_161 = tpu.memref_slice %arg4[%mul3A_159, %dma_start3A_160] : memref<819200x128xf32, #tpu.memory_space<hbm>> -> memref<128x128xf32, #tpu.memory_space<hbm>>
      %dma_start3A_162 = arith.constant 0 : i32
      %dma_start3A_163 = tpu.memref_slice %arg4[%mul3A_159, %dma_start3A_162] : memref<819200x128xf32, #tpu.memory_space<hbm>> -> memref<128x128xf32, #tpu.memory_space<hbm>>
      tpu.enqueue_dma source(%arg7 : memref<128x128xf32, #tpu.memory_space<vmem>>) target(%dma_start3A_163 : memref<128x128xf32, #tpu.memory_space<hbm>>) target_semaphore(%arg15 : memref<!tpu.dma_semaphore, #tpu.memory_space<semaphore_mem>>)
      %add3A_164 = arith.constant 2 : i32
      %add3A_165 = arith.addi %add3A_129, %add3A_164 : i32
      %dma_wait3A_166 = arith.constant 0 : i32
      %dma_wait3A_167 = tpu.memref_slice %arg5[%add3A_165, %dma_wait3A_166] : memref<200x128xi32, #tpu.memory_space<vmem>> -> memref<1x128xi32, #tpu.memory_space<vmem>>
      %dma_wait3A_168 = tpu.memref_squeeze %dma_wait3A_167 : memref<1x128xi32, #tpu.memory_space<vmem>> -> memref<128xi32, #tpu.memory_space<vmem>>
      %dma_wait3A_169 = arith.constant 0 : i32
      %dma_wait3A_170 = arith.constant 0 : i32
      %dma_wait3A_171 = tpu.memref_slice %arg2[%dma_wait3A_169, %dma_wait3A_170] : memref<100000x128xf32, #tpu.memory_space<hbm>> -> memref<100000x128xf32, #tpu.memory_space<hbm>>
      tpu.wait_indirect_dma semaphore(%arg12 : memref<!tpu.dma_semaphore, #tpu.memory_space<semaphore_mem>>) src(%dma_wait3A_171 : memref<100000x128xf32, #tpu.memory_space<hbm>>) dst(%arg8 : memref<128x128xf32, #tpu.memory_space<vmem>>)
      %add3A_172 = arith.constant 2 : i32
      %add3A_173 = arith.addi %add3A_129, %add3A_172 : i32
      %add3A_174 = arith.addi %mul3A_2, %add3A_173 : i32
      %mul3A_175 = arith.constant 128 : i32
      %mul3A_176 = arith.muli %add3A_174, %mul3A_175 : i32
      %dma_start3A_177 = arith.constant 0 : i32
      %dma_start3A_178 = tpu.memref_slice %arg4[%mul3A_176, %dma_start3A_177] : memref<819200x128xf32, #tpu.memory_space<hbm>> -> memref<128x128xf32, #tpu.memory_space<hbm>>
      %dma_start3A_179 = arith.constant 0 : i32
      %dma_start3A_180 = tpu.memref_slice %arg4[%mul3A_176, %dma_start3A_179] : memref<819200x128xf32, #tpu.memory_space<hbm>> -> memref<128x128xf32, #tpu.memory_space<hbm>>
      tpu.enqueue_dma source(%arg8 : memref<128x128xf32, #tpu.memory_space<vmem>>) target(%dma_start3A_180 : memref<128x128xf32, #tpu.memory_space<hbm>>) target_semaphore(%arg16 : memref<!tpu.dma_semaphore, #tpu.memory_space<semaphore_mem>>)
      %add3A_181 = arith.constant 3 : i32
      %add3A_182 = arith.addi %add3A_129, %add3A_181 : i32
      %dma_wait3A_183 = arith.constant 0 : i32
      %dma_wait3A_184 = tpu.memref_slice %arg5[%add3A_182, %dma_wait3A_183] : memref<200x128xi32, #tpu.memory_space<vmem>> -> memref<1x128xi32, #tpu.memory_space<vmem>>
      %dma_wait3A_185 = tpu.memref_squeeze %dma_wait3A_184 : memref<1x128xi32, #tpu.memory_space<vmem>> -> memref<128xi32, #tpu.memory_space<vmem>>
      %dma_wait3A_186 = arith.constant 0 : i32
      %dma_wait3A_187 = arith.constant 0 : i32
      %dma_wait3A_188 = tpu.memref_slice %arg2[%dma_wait3A_186, %dma_wait3A_187] : memref<100000x128xf32, #tpu.memory_space<hbm>> -> memref<100000x128xf32, #tpu.memory_space<hbm>>
      tpu.wait_indirect_dma semaphore(%arg13 : memref<!tpu.dma_semaphore, #tpu.memory_space<semaphore_mem>>) src(%dma_wait3A_188 : memref<100000x128xf32, #tpu.memory_space<hbm>>) dst(%arg9 : memref<128x128xf32, #tpu.memory_space<vmem>>)
      %add3A_189 = arith.constant 3 : i32
      %add3A_190 = arith.addi %add3A_129, %add3A_189 : i32
      %add3A_191 = arith.addi %mul3A_2, %add3A_190 : i32
      %mul3A_192 = arith.constant 128 : i32
      %mul3A_193 = arith.muli %add3A_191, %mul3A_192 : i32
      %dma_start3A_194 = arith.constant 0 : i32
      %dma_start3A_195 = tpu.memref_slice %arg4[%mul3A_193, %dma_start3A_194] : memref<819200x128xf32, #tpu.memory_space<hbm>> -> memref<128x128xf32, #tpu.memory_space<hbm>>
      %dma_start3A_196 = arith.constant 0 : i32
      %dma_start3A_197 = tpu.memref_slice %arg4[%mul3A_193, %dma_start3A_196] : memref<819200x128xf32, #tpu.memory_space<hbm>> -> memref<128x128xf32, #tpu.memory_space<hbm>>
      tpu.enqueue_dma source(%arg9 : memref<128x128xf32, #tpu.memory_space<vmem>>) target(%dma_start3A_197 : memref<128x128xf32, #tpu.memory_space<hbm>>) target_semaphore(%arg17 : memref<!tpu.dma_semaphore, #tpu.memory_space<semaphore_mem>>)
      %add3A_198 = arith.constant 0 : i32
      %add3A_199 = arith.addi %add3A_129, %add3A_198 : i32
      %add3A_200 = arith.addi %mul3A_2, %add3A_199 : i32
      %mul3A_201 = arith.constant 128 : i32
      %mul3A_202 = arith.muli %add3A_200, %mul3A_201 : i32
      %dma_wait3A_203 = arith.constant 0 : i32
      %dma_wait3A_204 = tpu.memref_slice %arg4[%mul3A_202, %dma_wait3A_203] : memref<819200x128xf32, #tpu.memory_space<hbm>> -> memref<128x128xf32, #tpu.memory_space<hbm>>
      %dma_wait3A_205 = arith.constant 0 : i32
      %dma_wait3A_206 = tpu.memref_slice %arg4[%mul3A_202, %dma_wait3A_205] : memref<819200x128xf32, #tpu.memory_space<hbm>> -> memref<128x128xf32, #tpu.memory_space<hbm>>
      tpu.wait_dma2 semaphore(%arg14 : memref<!tpu.dma_semaphore, #tpu.memory_space<semaphore_mem>>) src(%arg6 : memref<128x128xf32, #tpu.memory_space<vmem>>) dst(%dma_wait3A_206 : memref<128x128xf32, #tpu.memory_space<hbm>>)
      %add3A_207 = arith.constant 4 : i32
      %add3A_208 = arith.addi %add3A_129, %add3A_207 : i32
      %add3A_209 = arith.constant 0 : i32
      %add3A_210 = arith.addi %add3A_208, %add3A_209 : i32
      %dma_start3A_211 = arith.constant 0 : i32
      %dma_start3A_212 = tpu.memref_slice %arg5[%add3A_210, %dma_start3A_211] : memref<200x128xi32, #tpu.memory_space<vmem>> -> memref<1x128xi32, #tpu.memory_space<vmem>>
      %dma_start3A_213 = tpu.memref_squeeze %dma_start3A_212 : memref<1x128xi32, #tpu.memory_space<vmem>> -> memref<128xi32, #tpu.memory_space<vmem>>
      %dma_start3A_214 = arith.constant 0 : i32
      %dma_start3A_215 = arith.constant 0 : i32
      %dma_start3A_216 = tpu.memref_slice %arg2[%dma_start3A_214, %dma_start3A_215] : memref<100000x128xf32, #tpu.memory_space<hbm>> -> memref<100000x128xf32, #tpu.memory_space<hbm>>
      tpu.enqueue_indirect_dma source(%dma_start3A_216 : memref<100000x128xf32, #tpu.memory_space<hbm>>) target(%arg6 : memref<128x128xf32, #tpu.memory_space<vmem>>) offsets(%dma_start3A_213 : memref<128xi32, #tpu.memory_space<vmem>>) semaphore(%arg10 : memref<!tpu.dma_semaphore, #tpu.memory_space<semaphore_mem>>)
      %add3A_217 = arith.constant 1 : i32
      %add3A_218 = arith.addi %add3A_129, %add3A_217 : i32
      %add3A_219 = arith.addi %mul3A_2, %add3A_218 : i32
      %mul3A_220 = arith.constant 128 : i32
      %mul3A_221 = arith.muli %add3A_219, %mul3A_220 : i32
      %dma_wait3A_222 = arith.constant 0 : i32
      %dma_wait3A_223 = tpu.memref_slice %arg4[%mul3A_221, %dma_wait3A_222] : memref<819200x128xf32, #tpu.memory_space<hbm>> -> memref<128x128xf32, #tpu.memory_space<hbm>>
      %dma_wait3A_224 = arith.constant 0 : i32
      %dma_wait3A_225 = tpu.memref_slice %arg4[%mul3A_221, %dma_wait3A_224] : memref<819200x128xf32, #tpu.memory_space<hbm>> -> memref<128x128xf32, #tpu.memory_space<hbm>>
      tpu.wait_dma2 semaphore(%arg15 : memref<!tpu.dma_semaphore, #tpu.memory_space<semaphore_mem>>) src(%arg7 : memref<128x128xf32, #tpu.memory_space<vmem>>) dst(%dma_wait3A_225 : memref<128x128xf32, #tpu.memory_space<hbm>>)
      %add3A_226 = arith.constant 4 : i32
      %add3A_227 = arith.addi %add3A_129, %add3A_226 : i32
      %add3A_228 = arith.constant 1 : i32
      %add3A_229 = arith.addi %add3A_227, %add3A_228 : i32
      %dma_start3A_230 = arith.constant 0 : i32
      %dma_start3A_231 = tpu.memref_slice %arg5[%add3A_229, %dma_start3A_230] : memref<200x128xi32, #tpu.memory_space<vmem>> -> memref<1x128xi32, #tpu.memory_space<vmem>>
      %dma_start3A_232 = tpu.memref_squeeze %dma_start3A_231 : memref<1x128xi32, #tpu.memory_space<vmem>> -> memref<128xi32, #tpu.memory_space<vmem>>
      %dma_start3A_233 = arith.constant 0 : i32
      %dma_start3A_234 = arith.constant 0 : i32
      %dma_start3A_235 = tpu.memref_slice %arg2[%dma_start3A_233, %dma_start3A_234] : memref<100000x128xf32, #tpu.memory_space<hbm>> -> memref<100000x128xf32, #tpu.memory_space<hbm>>
      tpu.enqueue_indirect_dma source(%dma_start3A_235 : memref<100000x128xf32, #tpu.memory_space<hbm>>) target(%arg7 : memref<128x128xf32, #tpu.memory_space<vmem>>) offsets(%dma_start3A_232 : memref<128xi32, #tpu.memory_space<vmem>>) semaphore(%arg11 : memref<!tpu.dma_semaphore, #tpu.memory_space<semaphore_mem>>)
      %add3A_236 = arith.constant 2 : i32
      %add3A_237 = arith.addi %add3A_129, %add3A_236 : i32
      %add3A_238 = arith.addi %mul3A_2, %add3A_237 : i32
      %mul3A_239 = arith.constant 128 : i32
      %mul3A_240 = arith.muli %add3A_238, %mul3A_239 : i32
      %dma_wait3A_241 = arith.constant 0 : i32
      %dma_wait3A_242 = tpu.memref_slice %arg4[%mul3A_240, %dma_wait3A_241] : memref<819200x128xf32, #tpu.memory_space<hbm>> -> memref<128x128xf32, #tpu.memory_space<hbm>>
      %dma_wait3A_243 = arith.constant 0 : i32
      %dma_wait3A_244 = tpu.memref_slice %arg4[%mul3A_240, %dma_wait3A_243] : memref<819200x128xf32, #tpu.memory_space<hbm>> -> memref<128x128xf32, #tpu.memory_space<hbm>>
      tpu.wait_dma2 semaphore(%arg16 : memref<!tpu.dma_semaphore, #tpu.memory_space<semaphore_mem>>) src(%arg8 : memref<128x128xf32, #tpu.memory_space<vmem>>) dst(%dma_wait3A_244 : memref<128x128xf32, #tpu.memory_space<hbm>>)
      %add3A_245 = arith.constant 4 : i32
      %add3A_246 = arith.addi %add3A_129, %add3A_245 : i32
      %add3A_247 = arith.constant 2 : i32
      %add3A_248 = arith.addi %add3A_246, %add3A_247 : i32
      %dma_start3A_249 = arith.constant 0 : i32
      %dma_start3A_250 = tpu.memref_slice %arg5[%add3A_248, %dma_start3A_249] : memref<200x128xi32, #tpu.memory_space<vmem>> -> memref<1x128xi32, #tpu.memory_space<vmem>>
      %dma_start3A_251 = tpu.memref_squeeze %dma_start3A_250 : memref<1x128xi32, #tpu.memory_space<vmem>> -> memref<128xi32, #tpu.memory_space<vmem>>
      %dma_start3A_252 = arith.constant 0 : i32
      %dma_start3A_253 = arith.constant 0 : i32
      %dma_start3A_254 = tpu.memref_slice %arg2[%dma_start3A_252, %dma_start3A_253] : memref<100000x128xf32, #tpu.memory_space<hbm>> -> memref<100000x128xf32, #tpu.memory_space<hbm>>
      tpu.enqueue_indirect_dma source(%dma_start3A_254 : memref<100000x128xf32, #tpu.memory_space<hbm>>) target(%arg8 : memref<128x128xf32, #tpu.memory_space<vmem>>) offsets(%dma_start3A_251 : memref<128xi32, #tpu.memory_space<vmem>>) semaphore(%arg12 : memref<!tpu.dma_semaphore, #tpu.memory_space<semaphore_mem>>)
      %add3A_255 = arith.constant 3 : i32
      %add3A_256 = arith.addi %add3A_129, %add3A_255 : i32
      %add3A_257 = arith.addi %mul3A_2, %add3A_256 : i32
      %mul3A_258 = arith.constant 128 : i32
      %mul3A_259 = arith.muli %add3A_257, %mul3A_258 : i32
      %dma_wait3A_260 = arith.constant 0 : i32
      %dma_wait3A_261 = tpu.memref_slice %arg4[%mul3A_259, %dma_wait3A_260] : memref<819200x128xf32, #tpu.memory_space<hbm>> -> memref<128x128xf32, #tpu.memory_space<hbm>>
      %dma_wait3A_262 = arith.constant 0 : i32
      %dma_wait3A_263 = tpu.memref_slice %arg4[%mul3A_259, %dma_wait3A_262] : memref<819200x128xf32, #tpu.memory_space<hbm>> -> memref<128x128xf32, #tpu.memory_space<hbm>>
      tpu.wait_dma2 semaphore(%arg17 : memref<!tpu.dma_semaphore, #tpu.memory_space<semaphore_mem>>) src(%arg9 : memref<128x128xf32, #tpu.memory_space<vmem>>) dst(%dma_wait3A_263 : memref<128x128xf32, #tpu.memory_space<hbm>>)
      %add3A_264 = arith.constant 4 : i32
      %add3A_265 = arith.addi %add3A_129, %add3A_264 : i32
      %add3A_266 = arith.constant 3 : i32
      %add3A_267 = arith.addi %add3A_265, %add3A_266 : i32
      %dma_start3A_268 = arith.constant 0 : i32
      %dma_start3A_269 = tpu.memref_slice %arg5[%add3A_267, %dma_start3A_268] : memref<200x128xi32, #tpu.memory_space<vmem>> -> memref<1x128xi32, #tpu.memory_space<vmem>>
      %dma_start3A_270 = tpu.memref_squeeze %dma_start3A_269 : memref<1x128xi32, #tpu.memory_space<vmem>> -> memref<128xi32, #tpu.memory_space<vmem>>
      %dma_start3A_271 = arith.constant 0 : i32
      %dma_start3A_272 = arith.constant 0 : i32
      %dma_start3A_273 = tpu.memref_slice %arg2[%dma_start3A_271, %dma_start3A_272] : memref<100000x128xf32, #tpu.memory_space<hbm>> -> memref<100000x128xf32, #tpu.memory_space<hbm>>
      tpu.enqueue_indirect_dma source(%dma_start3A_273 : memref<100000x128xf32, #tpu.memory_space<hbm>>) target(%arg9 : memref<128x128xf32, #tpu.memory_space<vmem>>) offsets(%dma_start3A_270 : memref<128xi32, #tpu.memory_space<vmem>>) semaphore(%arg13 : memref<!tpu.dma_semaphore, #tpu.memory_space<semaphore_mem>>)
    }
    %scan3A_33 = arith.constant 49 : i32
    %dma_wait3A = arith.constant 196 : i32
    %dma_wait3A_34 = arith.constant 0 : i32
    %dma_wait3A_35 = tpu.memref_slice %arg5[%dma_wait3A, %dma_wait3A_34] : memref<200x128xi32, #tpu.memory_space<vmem>> -> memref<1x128xi32, #tpu.memory_space<vmem>>
    %dma_wait3A_36 = tpu.memref_squeeze %dma_wait3A_35 : memref<1x128xi32, #tpu.memory_space<vmem>> -> memref<128xi32, #tpu.memory_space<vmem>>
    %dma_wait3A_37 = arith.constant 0 : i32
    %dma_wait3A_38 = arith.constant 0 : i32
    %dma_wait3A_39 = tpu.memref_slice %arg2[%dma_wait3A_37, %dma_wait3A_38] : memref<100000x128xf32, #tpu.memory_space<hbm>> -> memref<100000x128xf32, #tpu.memory_space<hbm>>
    tpu.wait_indirect_dma semaphore(%arg10 : memref<!tpu.dma_semaphore, #tpu.memory_space<semaphore_mem>>) src(%dma_wait3A_39 : memref<100000x128xf32, #tpu.memory_space<hbm>>) dst(%arg6 : memref<128x128xf32, #tpu.memory_space<vmem>>)
    %add3A_40 = arith.constant 196 : i32
    %add3A_41 = arith.addi %mul3A_2, %add3A_40 : i32
    %mul3A_42 = arith.constant 128 : i32
    %mul3A_43 = arith.muli %add3A_41, %mul3A_42 : i32
    %dma_start3A_44 = arith.constant 0 : i32
    %dma_start3A_45 = tpu.memref_slice %arg4[%mul3A_43, %dma_start3A_44] : memref<819200x128xf32, #tpu.memory_space<hbm>> -> memref<128x128xf32, #tpu.memory_space<hbm>>
    %dma_start3A_46 = arith.constant 0 : i32
    %dma_start3A_47 = tpu.memref_slice %arg4[%mul3A_43, %dma_start3A_46] : memref<819200x128xf32, #tpu.memory_space<hbm>> -> memref<128x128xf32, #tpu.memory_space<hbm>>
    tpu.enqueue_dma source(%arg6 : memref<128x128xf32, #tpu.memory_space<vmem>>) target(%dma_start3A_47 : memref<128x128xf32, #tpu.memory_space<hbm>>) target_semaphore(%arg14 : memref<!tpu.dma_semaphore, #tpu.memory_space<semaphore_mem>>)
    %dma_wait3A_48 = arith.constant 197 : i32
    %dma_wait3A_49 = arith.constant 0 : i32
    %dma_wait3A_50 = tpu.memref_slice %arg5[%dma_wait3A_48, %dma_wait3A_49] : memref<200x128xi32, #tpu.memory_space<vmem>> -> memref<1x128xi32, #tpu.memory_space<vmem>>
    %dma_wait3A_51 = tpu.memref_squeeze %dma_wait3A_50 : memref<1x128xi32, #tpu.memory_space<vmem>> -> memref<128xi32, #tpu.memory_space<vmem>>
    %dma_wait3A_52 = arith.constant 0 : i32
    %dma_wait3A_53 = arith.constant 0 : i32
    %dma_wait3A_54 = tpu.memref_slice %arg2[%dma_wait3A_52, %dma_wait3A_53] : memref<100000x128xf32, #tpu.memory_space<hbm>> -> memref<100000x128xf32, #tpu.memory_space<hbm>>
    tpu.wait_indirect_dma semaphore(%arg11 : memref<!tpu.dma_semaphore, #tpu.memory_space<semaphore_mem>>) src(%dma_wait3A_54 : memref<100000x128xf32, #tpu.memory_space<hbm>>) dst(%arg7 : memref<128x128xf32, #tpu.memory_space<vmem>>)
    %add3A_55 = arith.constant 197 : i32
    %add3A_56 = arith.addi %mul3A_2, %add3A_55 : i32
    %mul3A_57 = arith.constant 128 : i32
    %mul3A_58 = arith.muli %add3A_56, %mul3A_57 : i32
    %dma_start3A_59 = arith.constant 0 : i32
    %dma_start3A_60 = tpu.memref_slice %arg4[%mul3A_58, %dma_start3A_59] : memref<819200x128xf32, #tpu.memory_space<hbm>> -> memref<128x128xf32, #tpu.memory_space<hbm>>
    %dma_start3A_61 = arith.constant 0 : i32
    %dma_start3A_62 = tpu.memref_slice %arg4[%mul3A_58, %dma_start3A_61] : memref<819200x128xf32, #tpu.memory_space<hbm>> -> memref<128x128xf32, #tpu.memory_space<hbm>>
    tpu.enqueue_dma source(%arg7 : memref<128x128xf32, #tpu.memory_space<vmem>>) target(%dma_start3A_62 : memref<128x128xf32, #tpu.memory_space<hbm>>) target_semaphore(%arg15 : memref<!tpu.dma_semaphore, #tpu.memory_space<semaphore_mem>>)
    %dma_wait3A_63 = arith.constant 198 : i32
    %dma_wait3A_64 = arith.constant 0 : i32
    %dma_wait3A_65 = tpu.memref_slice %arg5[%dma_wait3A_63, %dma_wait3A_64] : memref<200x128xi32, #tpu.memory_space<vmem>> -> memref<1x128xi32, #tpu.memory_space<vmem>>
    %dma_wait3A_66 = tpu.memref_squeeze %dma_wait3A_65 : memref<1x128xi32, #tpu.memory_space<vmem>> -> memref<128xi32, #tpu.memory_space<vmem>>
    %dma_wait3A_67 = arith.constant 0 : i32
    %dma_wait3A_68 = arith.constant 0 : i32
    %dma_wait3A_69 = tpu.memref_slice %arg2[%dma_wait3A_67, %dma_wait3A_68] : memref<100000x128xf32, #tpu.memory_space<hbm>> -> memref<100000x128xf32, #tpu.memory_space<hbm>>
    tpu.wait_indirect_dma semaphore(%arg12 : memref<!tpu.dma_semaphore, #tpu.memory_space<semaphore_mem>>) src(%dma_wait3A_69 : memref<100000x128xf32, #tpu.memory_space<hbm>>) dst(%arg8 : memref<128x128xf32, #tpu.memory_space<vmem>>)
    %add3A_70 = arith.constant 198 : i32
    %add3A_71 = arith.addi %mul3A_2, %add3A_70 : i32
    %mul3A_72 = arith.constant 128 : i32
    %mul3A_73 = arith.muli %add3A_71, %mul3A_72 : i32
    %dma_start3A_74 = arith.constant 0 : i32
    %dma_start3A_75 = tpu.memref_slice %arg4[%mul3A_73, %dma_start3A_74] : memref<819200x128xf32, #tpu.memory_space<hbm>> -> memref<128x128xf32, #tpu.memory_space<hbm>>
    %dma_start3A_76 = arith.constant 0 : i32
    %dma_start3A_77 = tpu.memref_slice %arg4[%mul3A_73, %dma_start3A_76] : memref<819200x128xf32, #tpu.memory_space<hbm>> -> memref<128x128xf32, #tpu.memory_space<hbm>>
    tpu.enqueue_dma source(%arg8 : memref<128x128xf32, #tpu.memory_space<vmem>>) target(%dma_start3A_77 : memref<128x128xf32, #tpu.memory_space<hbm>>) target_semaphore(%arg16 : memref<!tpu.dma_semaphore, #tpu.memory_space<semaphore_mem>>)
    %dma_wait3A_78 = arith.constant 199 : i32
    %dma_wait3A_79 = arith.constant 0 : i32
    %dma_wait3A_80 = tpu.memref_slice %arg5[%dma_wait3A_78, %dma_wait3A_79] : memref<200x128xi32, #tpu.memory_space<vmem>> -> memref<1x128xi32, #tpu.memory_space<vmem>>
    %dma_wait3A_81 = tpu.memref_squeeze %dma_wait3A_80 : memref<1x128xi32, #tpu.memory_space<vmem>> -> memref<128xi32, #tpu.memory_space<vmem>>
    %dma_wait3A_82 = arith.constant 0 : i32
    %dma_wait3A_83 = arith.constant 0 : i32
    %dma_wait3A_84 = tpu.memref_slice %arg2[%dma_wait3A_82, %dma_wait3A_83] : memref<100000x128xf32, #tpu.memory_space<hbm>> -> memref<100000x128xf32, #tpu.memory_space<hbm>>
    tpu.wait_indirect_dma semaphore(%arg13 : memref<!tpu.dma_semaphore, #tpu.memory_space<semaphore_mem>>) src(%dma_wait3A_84 : memref<100000x128xf32, #tpu.memory_space<hbm>>) dst(%arg9 : memref<128x128xf32, #tpu.memory_space<vmem>>)
    %add3A_85 = arith.constant 199 : i32
    %add3A_86 = arith.addi %mul3A_2, %add3A_85 : i32
    %mul3A_87 = arith.constant 128 : i32
    %mul3A_88 = arith.muli %add3A_86, %mul3A_87 : i32
    %dma_start3A_89 = arith.constant 0 : i32
    %dma_start3A_90 = tpu.memref_slice %arg4[%mul3A_88, %dma_start3A_89] : memref<819200x128xf32, #tpu.memory_space<hbm>> -> memref<128x128xf32, #tpu.memory_space<hbm>>
    %dma_start3A_91 = arith.constant 0 : i32
    %dma_start3A_92 = tpu.memref_slice %arg4[%mul3A_88, %dma_start3A_91] : memref<819200x128xf32, #tpu.memory_space<hbm>> -> memref<128x128xf32, #tpu.memory_space<hbm>>
    tpu.enqueue_dma source(%arg9 : memref<128x128xf32, #tpu.memory_space<vmem>>) target(%dma_start3A_92 : memref<128x128xf32, #tpu.memory_space<hbm>>) target_semaphore(%arg17 : memref<!tpu.dma_semaphore, #tpu.memory_space<semaphore_mem>>)
    %add3A_93 = arith.constant 196 : i32
    %add3A_94 = arith.addi %mul3A_2, %add3A_93 : i32
    %mul3A_95 = arith.constant 128 : i32
    %mul3A_96 = arith.muli %add3A_94, %mul3A_95 : i32
    %dma_wait3A_97 = arith.constant 0 : i32
    %dma_wait3A_98 = tpu.memref_slice %arg4[%mul3A_96, %dma_wait3A_97] : memref<819200x128xf32, #tpu.memory_space<hbm>> -> memref<128x128xf32, #tpu.memory_space<hbm>>
    %dma_wait3A_99 = arith.constant 0 : i32
    %dma_wait3A_100 = tpu.memref_slice %arg4[%mul3A_96, %dma_wait3A_99] : memref<819200x128xf32, #tpu.memory_space<hbm>> -> memref<128x128xf32, #tpu.memory_space<hbm>>
    tpu.wait_dma2 semaphore(%arg14 : memref<!tpu.dma_semaphore, #tpu.memory_space<semaphore_mem>>) src(%arg6 : memref<128x128xf32, #tpu.memory_space<vmem>>) dst(%dma_wait3A_100 : memref<128x128xf32, #tpu.memory_space<hbm>>)
    %add3A_101 = arith.constant 197 : i32
    %add3A_102 = arith.addi %mul3A_2, %add3A_101 : i32
    %mul3A_103 = arith.constant 128 : i32
    %mul3A_104 = arith.muli %add3A_102, %mul3A_103 : i32
    %dma_wait3A_105 = arith.constant 0 : i32
    %dma_wait3A_106 = tpu.memref_slice %arg4[%mul3A_104, %dma_wait3A_105] : memref<819200x128xf32, #tpu.memory_space<hbm>> -> memref<128x128xf32, #tpu.memory_space<hbm>>
    %dma_wait3A_107 = arith.constant 0 : i32
    %dma_wait3A_108 = tpu.memref_slice %arg4[%mul3A_104, %dma_wait3A_107] : memref<819200x128xf32, #tpu.memory_space<hbm>> -> memref<128x128xf32, #tpu.memory_space<hbm>>
    tpu.wait_dma2 semaphore(%arg15 : memref<!tpu.dma_semaphore, #tpu.memory_space<semaphore_mem>>) src(%arg7 : memref<128x128xf32, #tpu.memory_space<vmem>>) dst(%dma_wait3A_108 : memref<128x128xf32, #tpu.memory_space<hbm>>)
    %add3A_109 = arith.constant 198 : i32
    %add3A_110 = arith.addi %mul3A_2, %add3A_109 : i32
    %mul3A_111 = arith.constant 128 : i32
    %mul3A_112 = arith.muli %add3A_110, %mul3A_111 : i32
    %dma_wait3A_113 = arith.constant 0 : i32
    %dma_wait3A_114 = tpu.memref_slice %arg4[%mul3A_112, %dma_wait3A_113] : memref<819200x128xf32, #tpu.memory_space<hbm>> -> memref<128x128xf32, #tpu.memory_space<hbm>>
    %dma_wait3A_115 = arith.constant 0 : i32
    %dma_wait3A_116 = tpu.memref_slice %arg4[%mul3A_112, %dma_wait3A_115] : memref<819200x128xf32, #tpu.memory_space<hbm>> -> memref<128x128xf32, #tpu.memory_space<hbm>>
    tpu.wait_dma2 semaphore(%arg16 : memref<!tpu.dma_semaphore, #tpu.memory_space<semaphore_mem>>) src(%arg8 : memref<128x128xf32, #tpu.memory_space<vmem>>) dst(%dma_wait3A_116 : memref<128x128xf32, #tpu.memory_space<hbm>>)
    %add3A_117 = arith.constant 199 : i32
    %add3A_118 = arith.addi %mul3A_2, %add3A_117 : i32
    %mul3A_119 = arith.constant 128 : i32
    %mul3A_120 = arith.muli %add3A_118, %mul3A_119 : i32
    %dma_wait3A_121 = arith.constant 0 : i32
    %dma_wait3A_122 = tpu.memref_slice %arg4[%mul3A_120, %dma_wait3A_121] : memref<819200x128xf32, #tpu.memory_space<hbm>> -> memref<128x128xf32, #tpu.memory_space<hbm>>
    %dma_wait3A_123 = arith.constant 0 : i32
    %dma_wait3A_124 = tpu.memref_slice %arg4[%mul3A_120, %dma_wait3A_123] : memref<819200x128xf32, #tpu.memory_space<hbm>> -> memref<128x128xf32, #tpu.memory_space<hbm>>
    tpu.wait_dma2 semaphore(%arg17 : memref<!tpu.dma_semaphore, #tpu.memory_space<semaphore_mem>>) src(%arg9 : memref<128x128xf32, #tpu.memory_space<vmem>>) dst(%dma_wait3A_124 : memref<128x128xf32, #tpu.memory_space<hbm>>)
    return
  }
}

</mosaic_0001>

<sc_bundles>
// kernel: kernel.3.cloned.1.call-start
scs
__scs_entry_jumppad:
0x0: {  	(pc) =	sbr.rel $0x88, $3  }
0x1: {  	(tag) =	ssettag $0x0;
	lr =	simm.s32 $0x1  }
0x2: {  	[smem:$0x3F9F] =	sst lr;
	_ =	strace $0xD0000000  }
0x3: {  	_ = 	snop  }
0x4: {  	_ = 	snop  }
0x5: {  	_ = 	snop  }
0x6: {  	_ = 	snop  }
0x7: {  	_ = 	snop  }
__scs_overlays_trampoline_lowered:
0x8: {  	[smem:$0x3FAE] =	sst s0  }
0x9: {  	[smem:$0x3FAF] =	sst s1  }
0xa: {  	[smem:$0x3FB0] =	sst s2  }
0xb: {  	[smem:$0x3FB1] =	sst s3  }
0xc: {  	[smem:$0x3FB2] =	sst s4  }
0xd: {  	[smem:$0x3FB3] =	sst s5  }
0xe: {  	[smem:$0x3FB4] =	sst s6  }
0xf: {  	[smem:$0x3FB5] =	sst s7  }
0x10: {  	[smem:$0x3FB6] =	sst s8  }
0x11: {  	[smem:$0x3FB7] =	sst s9;
	s0 =	simm.s32 @!p0 $0x0  }
0x12: {  	s1 =	sld [smem:$0x3F9D];
	s0 =	simm.s32 @p0 $0x1  }
0x13: {  	[smem:$0x3FB8] =	sst s0;
	s0 =	simm.s32 @!p1 $0x0  }
0x14: {  	s2 =	sld [smem:$0x3F9C];
	s0 =	simm.s32 @p1 $0x1  }
0x15: {  	[smem:$0x3FB9] =	sst s0;
	s0 =	simm.s32 @!p2 $0x0  }
0x16: {  	s3 =	sld [smem:$0x3FDB];
	s0 =	simm.s32 @p2 $0x1  }
0x17: {  	s4 =	simm.s32 $0x1BF5;
	[smem:$0x3FBB] =	sst s0  }
0x18: {  	s0 =	sld [smem:$0x3F9E];
	_ =	swait.ge [sflag:s4], $0x0  }
0x19: {  	s7 =	sld [smem:$0x3F9F]  }
0x1a: {  	s8 =	sadd.s32 $0xFFFFE003, lr  }
0x1b: {  	s9 =	sadd.s32 $0xFFFFFEF7, lr;
	s5 =	simm.s32 $0xFFFFFFFF;
	p2 =	slt.u32 s8, $0xFFFFF086  }
0x1c: {  	p1 =	slt.u32 s9, $0xF7A;
	s5 =	simm.s32 @!p2 $0x0  }
0x1d: {  	s5 =	simm.s32 @p1 $0x1;
	p0 =	seq.s32 s7, s2  }
0x1e: {  	s7 =	smul.u32 @!p0 $0xF7A, s2;
	p2 =	seq.s32 @!p0 s5, $0x0  }
0x1f: {  	s9 =	smul.u32 $0xF7A, s1;
	s8 =	simm.s32 @!p0 $0x1BF5;
	p2 =	por !p2, p0  }
0x20: {  	[sflag:s8] =	ssyncset.s32 @!p0 $0xFFFFF086;
	s6 =	sadd.s32 @!p0 s3, s7;
	s7 =	simm.s32 @!p0 $0x108  }
0x21: {  	s3 =	sadd.s32 s3, s9;
	s6 =	sadd.s32 @!p0 $0x88, s6;
	s7 =	simm.s32 @p2 $0x1082  }
0x22: {  	[simem:s7], [sflag:s8] =	dma.local @!p0 [hbm:s6], $0xF7A  }
0x23: {  	s9 =	sor.u32 $0xD0000000, s2;
	s6 =	simm.s32 $0x108;
	_ =	swait.ge @!p0 [sflag:s8], $0x0  }
0x24: {  	s3 =	sadd.s32 $0x88, s3;
	s6 =	simm.s32 @!p1 $0x1082;
	[sflag:s4] =	ssyncset.s32 $0xFFFFF086  }
0x25: {  	[simem:s6], [sflag:s4] =	dma.local [hbm:s3], $0xF7A  }
0x26: {  	[smem:$0x3F9F] =	sst s1;
	(tag) =	ssettag s2;
	_ =	strace s9  }
0x27: {  	s1 =	sld [smem:$0x3FAF]  }
0x28: {  	s2 =	sld [smem:$0x3FB0]  }
0x29: {  	s4 =	sld [smem:$0x3FB2]  }
0x2a: {  	p0 =	seq.s32 s5, $0x0;
	s5 =	sld [smem:$0x3FB3]  }
0x2b: {  	s6 =	sld [smem:$0x3FB4]  }
0x2c: {  	s7 =	sld [smem:$0x3FB5]  }
0x2d: {  	s3 =	simm.s32 $0x108;
	s8 =	sld [smem:$0x3FB6]  }
0x2e: {  	s3 =	simm.s32 @!p0 $0x1082;
	s9 =	sld [smem:$0x3FB7]  }
0x2f: {  	lr =	sadd.s32 s0, s3;
	s0 =	sld [smem:$0x3FAE]  }
0x30: {  	s3 =	sld [smem:$0x3FB1]  }
0x31: {  	[smem:$0x3FBA] =	sst s10  }
0x32: {  	s10 =	sld [smem:$0x3FB8];
	_ =	sdelay $0x3  }
0x33: {  	p0 =	seq.s32 s10, $0x1;
	s10 =	sld [smem:$0x3FBA];
	_ =	sdelay $0x3  }
0x34: {  	[smem:$0x3FBA] =	sst s10  }
0x35: {  	s10 =	sld [smem:$0x3FB9];
	_ =	sdelay $0x3  }
0x36: {  	p1 =	seq.s32 s10, $0x1;
	s10 =	sld [smem:$0x3FBA];
	_ =	sdelay $0x3  }
0x37: {  	[smem:$0x3FBA] =	sst s10  }
0x38: {  	s10 =	sld [smem:$0x3FBB]  }
0x39: {  	_ = 	snop;
	(pc) =	sbr.ind lr, $3  }
0x3a: {  	_ = 	snop  }
0x3b: {  	_ = 	snop  }
0x3c: {  	p2 =	seq.s32 s10, $0x1;
	s10 =	sld [smem:$0x3FBA]  }
0x3d: {  	_ =	shalt  }
0x3e: {  	_ =	shalt  }
0x3f: {  	_ =	shalt  }
0x40: {  	_ =	shalt  }
0x41: {  	_ =	shalt  }
0x42: {  	_ =	shalt  }
0x43: {  	_ =	shalt  }
0x44: {  	_ =	shalt  }
0x45: {  	_ =	shalt  }
0x46: {  	_ =	shalt  }
0x47: {  	_ =	shalt  }
0x48: {  	_ =	shalt  }
0x49: {  	_ =	shalt  }
0x4a: {  	_ =	shalt  }
0x4b: {  	_ =	shalt  }
0x4c: {  	_ =	shalt  }
0x4d: {  	_ =	shalt  }
0x4e: {  	_ =	shalt  }
0x4f: {  	_ =	shalt  }
0x50: {  	_ =	shalt  }
0x51: {  	_ =	shalt  }
0x52: {  	_ =	shalt  }
0x53: {  	_ =	shalt  }
0x54: {  	_ =	shalt  }
0x55: {  	_ =	shalt  }
0x56: {  	_ =	shalt  }
0x57: {  	_ =	shalt  }
0x58: {  	_ =	shalt  }
0x59: {  	_ =	shalt  }
0x5a: {  	_ =	shalt  }
0x5b: {  	_ =	shalt  }
0x5c: {  	_ =	shalt  }
0x5d: {  	_ =	shalt  }
0x5e: {  	_ =	shalt  }
0x5f: {  	_ =	shalt  }
0x60: {  	_ =	shalt  }
0x61: {  	_ =	shalt  }
0x62: {  	_ =	shalt  }
0x63: {  	_ =	shalt  }
0x64: {  	_ =	shalt  }
0x65: {  	_ =	shalt  }
0x66: {  	_ =	shalt  }
0x67: {  	_ =	shalt  }
0x68: {  	_ =	shalt  }
0x69: {  	_ =	shalt  }
0x6a: {  	_ =	shalt  }
0x6b: {  	_ =	shalt  }
0x6c: {  	_ =	shalt  }
0x6d: {  	_ =	shalt  }
0x6e: {  	_ =	shalt  }
0x6f: {  	_ =	shalt  }
0x70: {  	_ =	shalt  }
0x71: {  	_ =	shalt  }
0x72: {  	_ =	shalt  }
0x73: {  	_ =	shalt  }
0x74: {  	_ =	shalt  }
0x75: {  	_ =	shalt  }
0x76: {  	_ =	shalt  }
0x77: {  	_ =	shalt  }
0x78: {  	_ =	shalt  }
0x79: {  	_ =	shalt  }
0x7a: {  	_ =	shalt  }
0x7b: {  	_ =	shalt  }
0x7c: {  	_ =	shalt  }
0x7d: {  	_ =	shalt  }
0x7e: {  	_ =	shalt  }
0x7f: {  	_ =	shalt  }
0x80: {  	_ =	shalt  }
0x81: {  	_ =	shalt  }
0x82: {  	_ =	shalt  }
0x83: {  	_ =	shalt  }
0x84: {  	_ =	shalt  }
0x85: {  	_ =	shalt  }
0x86: {  	_ =	shalt  }
0x87: {  	_ =	shalt  }
.Lfunc_end0:
.L_simem_size_0:
called_computation_lowered:
.L_overlay_start_0:
0x88: {  	s2 =	sld [smem:$0x3FD9]  }
0x89: {  	s3 =	sld [smem:$0x3FFE];
	_ =	sdelay $0x1  }
0x8a: {  	s1 =	srdreg.scid  }
0x8b: {  	s0 =	sand.u32 $0x1, s1  }
0x8c: {  	s17 =	sshll.u32 s0, $0xA;
	s2 =	sadd.s32 s3, s2  }
0x8d: {  	s2 =	sadd.s32 s2, s17  }
0x8e: {  	[smem:$0x3FC6] =	sst s2  }
0x8f: {  	_ = 	snop  }
0x90: {  	s2 =	sld [smem:$0x3FC8]  }
0x91: {  	s18 =	sld [smem:$0x3FD0];
	(tm) =	ssettm $0x1  }
0x92: {  	s4 =	sld [smem:$0x3FFB];
	_ =	sdelay $0x3  }
0x93: {  	_ =	strace s4  }
0x94: {  	s4 =	sld [smem:$0x3FFC];
	_ =	sdelay $0x3  }
0x95: {  	_ =	strace s4  }
0x96: {  	s4 =	sld [smem:$0x3FFD];
	_ =	sdelay $0x3  }
0x97: {  	_ =	strace s4  }
0x98: {  	_ =	strace $0x8FFFFFFF  }
0x99: {  	s19 =	sld [smem:$0x3FDB];
	_ =	sdelay $0x1  }
0x9a: {  	s5 =	simm.s32 $_scs_section_size  }
0x9b: {  	s6 =	simm.s32 $_size__tile_overlayer_lowered;
	s7 =	simm.s32 $_tile_overlayer_lowered  }
0x9c: {  	s22 =	simm.s32 $0x1BFF;
	s21 =	sshll.u32 s7, $0x1;
	s4 =	sadd.s32 s5, s19  }
0x9d: {  	s8 =	simm.s32 $0x0;
	s20 =	sshll.u32 s6, $0x1;
	s6 =	sadd.s32 s21, s4  }
0x9e: {  	[timem:s8], [sflag:s22] =	dma.local [hbm:s6], s20  }
0x9f: {  	_ =	swait.ge [sflag:s22], s20  }
0xa0: {  	s5 =	ssub.s32 $0x0, s20;
	[sflag:s22] =	ssyncset.done $0x0  }
0xa1: {  	[sflag:s22] =	ssyncadd.s32 s5;
	_ =	sdelay $0x1  }
0xa2: {  	s23 =	simm.s32 $0x1B8B  }
0xa3: {  	_ =	swait.ge [sflag:s23], $0x1  }
0xa4: {  	[sflag:s23] =	ssyncset.done $0x0  }
0xa5: {  	s25 =	simm.s32 $0x1B8E;
	s24 =	sld [smem:$0x3FFE];
	[sflag:s23] =	ssyncadd.s32 $0xFFFFFFFF  }
0xa6: {  	s26 =	simm.s32 $execute0_lowered;
	[smem:$0x3FD2] =	sst s25  }
0xa7: {  	s6 =	sshll.u32 s26, $0x1;
	_ =	strace $0x80000046;
	[dreg:$0x1] =	wrdreg $0xFFFFFFFF  }
0xa8: {  	s28 =	simm.s32 $_size_execute0_lowered;
	s4 =	sadd.s32 s4, s6;
	[dreg:$0x0] =	wrdreg $0x0  }
0xa9: {  	s6 =	sshll.u32 s28, $0x1;
	[dreg:$0x2] =	wrdreg s4  }
0xaa: {  	[dreg:$0x3] =	wrdreg s6  }
0xab: {  	[dreg:$0x4] =	wrdreg $0xC0  }
0xac: {  	_ =	task [dreg:s8], $0x5FFFF  }
0xad: {  	[dreg:$0x1] =	wrdreg $0xFFFFFFFF  }
0xae: {  	[dreg:$0x0] =	wrdreg $0x60  }
0xaf: {  	[dreg:$0x2] =	wrdreg s2  }
0xb0: {  	[dreg:$0x3] =	wrdreg s24  }
0xb1: {  	[dreg:$0x4] =	wrdreg s18  }
0xb2: {  	[dreg:$0x5] =	wrdreg $0x9  }
0xb3: {  	_ =	task.clear_ibuf [dreg:s8], $0x6FFFF;
	_ =	strace $0x90000046  }
0xb4: {  	s29 =	simm.s32 $0x9;
	_ =	strace $0x80000048  }
0xb5: {  	_ =	swait.ge [sflag:s29], $0x1  }
0xb6: {  	[sflag:s29] =	ssyncadd.s32 $0xFFFFFFFF  }
0xb7: {  	_ =	strace $0x90000048  }
0xb8: {  	_ =	sfence  }
0xb9: {  	s30 =	sld [smem:$0x0];
	_ =	sdelay $0x2  }
0xba: {  	s31 =	sshll.u32 s1, $0xD;
	s1 =	sshrl.u32 s1, $0x2  }
0xbb: {  	s3 =	sand.u32 $0x4000, s31;
	s1 =	sadd.s32 s1, s30  }
0xbc: {  	s0 =	sor.u32 s3, s0;
	s1 =	sshll.u32 s1, $0x11  }
0xbd: {  	s0 =	sor.u32 s1, s0  }
0xbe: {  	s0 =	sadd.s32 $0x8F2B, s0  }
0xbf: {  	[sflag:s0] =	ssyncadd.remote.s32 $0x1  }
0xc0: {  	_ =	sfence.sel $0xFFFF  }
0xc1: {  	[dreg:$0x0] =	wrdreg $0xFFFFFFFF;
	(pc) =	sbr.abs _section_cstart, $3  }
0xc2: {  	[dreg:$0x1] =	wrdreg $0xFFFFFFFF  }
0xc3: {  	_ =	task.clear_ibuf [dreg:s8], $0x2FFFF;
	_ =	strace $0x9FFFFFFF  }
0xc4: {  	(tm) =	ssettm $0x7FFFFFFF  }
0xc5: {  	_ =	shalt  }
tec
execute0_lowered:
.L_overlay_start_1:
0x0: {  	(tag) =	ssettag $0x1  }
0x1: {  	s1 =	rddreg [dreg:$0x0];
	s0 =	srdreg.scid  }
0x2: {  	s13 =	stileid.u32;
	s2 =	rddreg [dreg:$0x1]  }
0x3: {  	s12 =	rddreg [dreg:$0x2];
	s14 =	simm.s32 $0x80;
	s15 =	simm.s32 $0x6400  }
0x4: {  	s16 =	simm.s32 $0xA400;
	s18 =	simm.s32 $0xE400;
	s20 =	simm.s32 $0x12400  }
0x5: {  	s21 =	simm.s32 $0x1;
	s22 =	simm.s32 $0x2;
	s23 =	simm.s32 $0x3  }
0x6: {  	s24 =	simm.s32 $0x4;
	s28 =	simm.s32 $0x7;
	s8 =	smul.u32 $0x190, s13  }
0x7: {  	s0 =	sand.u32 $0x1, s0;
	s3 =	sshll.u32 s13, $0x1;
	s13 =	smul.u32 $0xC8000, s13  }
0x8: {  	s29 =	simm.s32 $0x8;
	s4 =	sor.u32 s0, s3;
	s10 =	smul.u32 $0xC8, s0  }
0x9: {  	s3 =	simm.s32 $0x0;
	s25 =	ssub.s32 $0x2, s0;
	s0 =	smul.u32 $0x64000, s0  }
0xa: {  	s30 =	simm.s32 $0x0;
	s5 =	smul.u32 $0xC80, s4;
	[smem:$0x7FF] =	sst s3  }
0xb: {  	s4 =	smul.u32 $0x320000, s4;
	s6 =	sshrl.u32 s25, $0x1;
	s31 =	sadd.s32 s13, s12  }
0xc: {  	s13 =	simm.s32 $0x9;
	_ =	strace $0x80000047;
	s11 =	ssub.s32 s25, s6  }
0xd: {  	s26 =	sadd.s32 s10, s8;
	s2 =	sadd.s32 s5, s2;
	s4 =	sshrl.u32 s4, $0x3  }
0xe: {  	s25 =	simm.s32 $0x5;
	s9 =	sadd.s32 s12, s4;
	s2 =	sadd.s32 $0x400, s2  }
0xf: {  	[dreg:$0x4] =	wrdreg s2;
	s5 =	sadd.s32 $0x62000, s9;
	s6 =	sadd.s32 $0x62800, s9  }
0x10: {  	s7 =	sadd.s32 $0x63000, s9;
	s8 =	sadd.s32 $0x63800, s9;
	s2 =	sshll.u32 s26, $0xB  }
0x11: {  	s9 =	smax.u32 s11, $0x1;
	s26 =	simm.s32 $0x6;
	s2 =	sadd.s32 s2, s12  }
0x12: {  	s12 =	sadd.s32 s0, s31;
	s10 =	sadd.s32 $0x1800, s2;
	s11 =	sadd.s32 $0x1000, s2  }
.LBB2_1:
0x13: {  	s0 =	rddreg [dreg:$0x4]  }
0x14: {  	[tilespmem:s3], [sflag:$0x9] =	stream.linear.gather [hbm4b:s0+s3], $0x6400, $0x38;
	[tilespmem:$0x16400] =	vst v63  }
0x15: {  	_ =	swait.ge [sflag:s13], $0x6400  }
0x16: {  	[sflag:s13] =	ssyncset.done $0x0  }
0x17: {  	[sflag:s13] =	ssyncadd.s32 $0xFFFF9C00  }
0x18: {  	[tilespmem:s15], [sflag:$0x1] =	stream.indirect.gather [hbm4b:s1+s14], $0x80, s3, s14, $0xb8;
	[tilespmem:$0x16400] =	vst v63  }
0x19: {  	_ = 	snop  }
0x1a: {  	[tilespmem:s16], [sflag:$0x2] =	stream.indirect.gather [hbm4b:s1+s14], $0x80, s14, s14, $0xb8;
	[tilespmem:$0x16400] =	vst v63  }
0x1b: {  	s17 =	simm.s32 $0x100  }
0x1c: {  	[tilespmem:s18], [sflag:$0x3] =	stream.indirect.gather [hbm4b:s1+s14], $0x80, s17, s14, $0xb8;
	[tilespmem:$0x16400] =	vst v63  }
0x1d: {  	s19 =	simm.s32 $0x180  }
0x1e: {  	[tilespmem:s20], [sflag:$0x4] =	stream.indirect.gather [hbm4b:s1+s14], $0x80, s19, s14, $0xb8;
	[tilespmem:$0x16400] =	vst v63  }
0x1f: {  	_ =	swait.ge [sflag:s21], $0x4000  }
0x20: {  	[sflag:s21] =	ssyncset.done $0x0  }
0x21: {  	[sflag:s21] =	ssyncadd.s32 $0xFFFFC000  }
0x22: {  	[hbm4b:s12+s3] =	stream.linear.scatter [tilespmem:s15], [sflag:$0x5], $0x4000, $0x38;
	[tilespmem:$0x16400] =	vst v63  }
0x23: {  	_ =	swait.ge [sflag:s22], $0x4000  }
0x24: {  	[sflag:s22] =	ssyncset.done $0x0  }
0x25: {  	s2 =	sadd.s32 $0xFFFFF000, s10;
	[sflag:s22] =	ssyncadd.s32 $0xFFFFC000  }
0x26: {  	[hbm4b:s2+s3] =	stream.linear.scatter [tilespmem:s16], [sflag:$0x6], $0x4000, $0x38;
	[tilespmem:$0x16400] =	vst v63  }
0x27: {  	_ =	swait.ge [sflag:s23], $0x4000  }
0x28: {  	[sflag:s23] =	ssyncset.done $0x0  }
0x29: {  	[sflag:s23] =	ssyncadd.s32 $0xFFFFC000  }
0x2a: {  	[hbm4b:s11+s3] =	stream.linear.scatter [tilespmem:s18], [sflag:$0x7], $0x4000, $0x38;
	[tilespmem:$0x16400] =	vst v63  }
0x2b: {  	_ =	swait.ge [sflag:s24], $0x4000  }
0x2c: {  	[sflag:s24] =	ssyncset.done $0x0  }
0x2d: {  	[sflag:s24] =	ssyncadd.s32 $0xFFFFC000  }
0x2e: {  	[hbm4b:s10+s3] =	stream.linear.scatter [tilespmem:s20], [sflag:$0x8], $0x4000, $0x38;
	[tilespmem:$0x16400] =	vst v63  }
0x2f: {  	_ =	swait.ge [sflag:s25], $0x4000  }
0x30: {  	[sflag:s25] =	ssyncset.done $0x0  }
0x31: {  	s4 =	simm.s32 $0x200;
	[sflag:s25] =	ssyncadd.s32 $0xFFFFC000  }
0x32: {  	[tilespmem:s15], [sflag:$0x1] =	stream.indirect.gather [hbm4b:s1+s14], $0x80, s4, s14, $0xb8;
	[tilespmem:$0x16400] =	vst v63  }
0x33: {  	_ =	swait.ge [sflag:s26], $0x4000  }
0x34: {  	[sflag:s26] =	ssyncset.done $0x0  }
0x35: {  	s17 =	simm.s32 $0x280;
	[sflag:s26] =	ssyncadd.s32 $0xFFFFC000  }
0x36: {  	[tilespmem:s16], [sflag:$0x2] =	stream.indirect.gather [hbm4b:s1+s14], $0x80, s17, s14, $0xb8;
	[tilespmem:$0x16400] =	vst v63  }
0x37: {  	_ =	swait.ge [sflag:s28], $0x4000  }
0x38: {  	[sflag:s28] =	ssyncset.done $0x0  }
0x39: {  	s19 =	simm.s32 $0x300;
	[sflag:s28] =	ssyncadd.s32 $0xFFFFC000  }
0x3a: {  	[tilespmem:s18], [sflag:$0x3] =	stream.indirect.gather [hbm4b:s1+s14], $0x80, s19, s14, $0xb8;
	[tilespmem:$0x16400] =	vst v63  }
0x3b: {  	s31 =	simm.s32 $0x800;
	_ =	swait.ge [sflag:s29], $0x4000  }
0x3c: {  	s0 =	sadd.s32 $0x2000, s12;
	s2 =	sadd.s32 $0x2000, s11;
	[sflag:s29] =	ssyncset.done $0x0  }
0x3d: {  	s17 =	sadd.s32 $0x2000, s10;
	s19 =	simm.s32 $0x380;
	[sflag:s29] =	ssyncadd.s32 $0xFFFFC000  }
.LBB2_2:
0x3e: {  	[tilespmem:s20], [sflag:$0x4] =	stream.indirect.gather [hbm4b:s1+s14], $0x80, s19, s14, $0xb8;
	[tilespmem:$0x16400] =	vst v63  }
0x3f: {  	s19 =	smov.u32 s31  }
0x40: {  	p0 =	sne.s32 s31, $0x18000;
	s31 =	sadd.s32 $0x800, s31;
	_ =	swait.ge [sflag:s21], $0x4000  }
0x41: {  	[sflag:s21] =	ssyncset.done $0x0  }
0x42: {  	[sflag:s21] =	ssyncadd.s32 $0xFFFFC000  }
0x43: {  	[hbm4b:s0+s3] =	stream.linear.scatter [tilespmem:s15], [sflag:$0x5], $0x4000, $0x38;
	[tilespmem:$0x16400] =	vst v63  }
0x44: {  	_ =	swait.ge [sflag:s22], $0x4000  }
0x45: {  	[sflag:s22] =	ssyncset.done $0x0  }
0x46: {  	s4 =	sadd.s32 $0xFFFFF000, s17;
	[sflag:s22] =	ssyncadd.s32 $0xFFFFC000  }
0x47: {  	[hbm4b:s4+s3] =	stream.linear.scatter [tilespmem:s16], [sflag:$0x6], $0x4000, $0x38;
	[tilespmem:$0x16400] =	vst v63  }
0x48: {  	_ =	swait.ge [sflag:s23], $0x4000  }
0x49: {  	[sflag:s23] =	ssyncset.done $0x0  }
0x4a: {  	[sflag:s23] =	ssyncadd.s32 $0xFFFFC000  }
0x4b: {  	[hbm4b:s2+s3] =	stream.linear.scatter [tilespmem:s18], [sflag:$0x7], $0x4000, $0x38;
	[tilespmem:$0x16400] =	vst v63  }
0x4c: {  	_ =	swait.ge [sflag:s24], $0x4000  }
0x4d: {  	[sflag:s24] =	ssyncset.done $0x0  }
0x4e: {  	[sflag:s24] =	ssyncadd.s32 $0xFFFFC000  }
0x4f: {  	[hbm4b:s17+s3] =	stream.linear.scatter [tilespmem:s20], [sflag:$0x8], $0x4000, $0x38;
	[tilespmem:$0x16400] =	vst v63  }
0x50: {  	_ =	swait.ge [sflag:s25], $0x4000  }
0x51: {  	s4 =	sshra.s32 s19, $0x2;
	[sflag:s25] =	ssyncset.done $0x0  }
0x52: {  	s19 =	sadd.s32 $0x200, s4;
	[sflag:s25] =	ssyncadd.s32 $0xFFFFC000  }
0x53: {  	[tilespmem:s15], [sflag:$0x1] =	stream.indirect.gather [hbm4b:s1+s14], $0x80, s19, s14, $0xb8;
	[tilespmem:$0x16400] =	vst v63  }
0x54: {  	_ =	swait.ge [sflag:s26], $0x4000  }
0x55: {  	[sflag:s26] =	ssyncset.done $0x0  }
0x56: {  	s19 =	sadd.s32 $0x280, s4;
	[sflag:s26] =	ssyncadd.s32 $0xFFFFC000  }
0x57: {  	[tilespmem:s16], [sflag:$0x2] =	stream.indirect.gather [hbm4b:s1+s14], $0x80, s19, s14, $0xb8;
	[tilespmem:$0x16400] =	vst v63  }
0x58: {  	_ =	swait.ge [sflag:s28], $0x4000  }
0x59: {  	[sflag:s28] =	ssyncset.done $0x0  }
.Ltmp0:
0x5a: {  	s19 =	sadd.s32 $0x300, s4;
	[sflag:s28] =	ssyncadd.s32 $0xFFFFC000;
	(pc) =	sbr.rel @p0 .LBB2_2-.Ltmp0, $4  }
0x5b: {  	[tilespmem:s18], [sflag:$0x3] =	stream.indirect.gather [hbm4b:s1+s14], $0x80, s19, s14, $0xb8;
	[tilespmem:$0x16400] =	vst v63  }
0x5c: {  	_ =	swait.ge [sflag:s29], $0x4000  }
0x5d: {  	s0 =	sadd.s32 $0x2000, s0;
	s2 =	sadd.s32 $0x2000, s2;
	[sflag:s29] =	ssyncset.done $0x0  }
0x5e: {  	s17 =	sadd.s32 $0x2000, s17;
	s19 =	sadd.s32 $0x380, s4;
	[sflag:s29] =	ssyncadd.s32 $0xFFFFC000  }
0x5f: {  	[tilespmem:s20], [sflag:$0x4] =	stream.indirect.gather [hbm4b:s1+s14], $0x80, s19, s14, $0xb8;
	[tilespmem:$0x16400] =	vst v63  }
0x60: {  	_ =	swait.ge [sflag:s21], $0x4000  }
0x61: {  	[sflag:s21] =	ssyncset.done $0x0  }
0x62: {  	[sflag:s21] =	ssyncadd.s32 $0xFFFFC000  }
0x63: {  	[hbm4b:s5+s3] =	stream.linear.scatter [tilespmem:s15], [sflag:$0x5], $0x4000, $0x38;
	[tilespmem:$0x16400] =	vst v63  }
0x64: {  	_ =	swait.ge [sflag:s22], $0x4000  }
0x65: {  	[sflag:s22] =	ssyncset.done $0x0  }
0x66: {  	[sflag:s22] =	ssyncadd.s32 $0xFFFFC000  }
0x67: {  	[hbm4b:s6+s3] =	stream.linear.scatter [tilespmem:s16], [sflag:$0x6], $0x4000, $0x38;
	[tilespmem:$0x16400] =	vst v63  }
0x68: {  	_ =	swait.ge [sflag:s23], $0x4000  }
0x69: {  	[sflag:s23] =	ssyncset.done $0x0  }
0x6a: {  	[sflag:s23] =	ssyncadd.s32 $0xFFFFC000  }
0x6b: {  	[hbm4b:s7+s3] =	stream.linear.scatter [tilespmem:s18], [sflag:$0x7], $0x4000, $0x38;
	[tilespmem:$0x16400] =	vst v63  }
0x6c: {  	_ =	swait.ge [sflag:s24], $0x4000  }
0x6d: {  	[sflag:s24] =	ssyncset.done $0x0  }
0x6e: {  	[sflag:s24] =	ssyncadd.s32 $0xFFFFC000  }
0x6f: {  	[hbm4b:s8+s3] =	stream.linear.scatter [tilespmem:s20], [sflag:$0x8], $0x4000, $0x38;
	[tilespmem:$0x16400] =	vst v63  }
0x70: {  	_ =	swait.ge [sflag:s25], $0x4000  }
0x71: {  	[sflag:s25] =	ssyncset.done $0x0  }
0x72: {  	[sflag:s25] =	ssyncadd.s32 $0xFFFFC000  }
0x73: {  	_ =	swait.ge [sflag:s26], $0x4000  }
0x74: {  	[sflag:s26] =	ssyncset.done $0x0  }
0x75: {  	s30 =	sadd.s32 $0x1, s30;
	[sflag:s26] =	ssyncadd.s32 $0xFFFFC000  }
0x76: {  	p0 =	sne.s32 s30, s9;
	_ =	swait.ge [sflag:s28], $0x4000  }
.Ltmp1:
0x77: {  	[sflag:s28] =	ssyncset.done $0x0;
	(pc) =	sbr.rel @p0 .LBB2_1-.Ltmp1, $4  }
0x78: {  	[sflag:s28] =	ssyncadd.s32 $0xFFFFC000  }
0x79: {  	_ =	swait.ge [sflag:s29], $0x4000  }
0x7a: {  	[sflag:s29] =	ssyncset.done $0x0  }
0x7b: {  	[sflag:s29] =	ssyncadd.s32 $0xFFFFC000  }
0x7c: {  	_ =	sfence.sel $0x180000  }
0x7d: {  	[bflag:$0x0] =	sbarrier.arrive $0xFFFF  }
0x7e: {  	_ =	strace $0x90000047  }
0x7f: {  	s0 =	stileid.u32;
	[bflag:$0x2] =	sbarrier.arrive $0xFFFF  }
0x80: {  	p0 =	sne.s32 s0, $0x0;
	s0 =	rddreg [dreg:$0x3]  }
0x81: {  	s0 =	sadd.s32 @!p0 $0x100000, s0  }
0x82: {  	[sflag:s0] =	ssyncadd.tile.s32 @!p0 $0x1;
	_ =	shalt  }
.Lfunc_end2:
_tile_overlayer_lowered:
.L_overlay_start_2:
0x83: {  	(tag) =	ssettag $0x2  }
0x84: {  	s0 =	rddreg [dreg:$0x0];
	s2 =	stileid.u32  }
0x85: {  	s1 =	rddreg [dreg:$0x1];
	p0 =	sne.s32 s2, $0x0  }
0x86: {  	s3 =	rddreg [dreg:$0x2];
	[bflag:$0x3] =	sbarrier.arrive $0xFFFF;
	s2 =	simm.s32 @!p0 $0x1C09  }
0x87: {  	[timem:s3], [sflag:s2] =	dma.local @!p0 [hbm:s0], s1  }
0x88: {  	s0 =	simm.s32 @!p0 $0x9  }
0x89: {  	_ =	swait.ge @!p0 [sflag:s0], s1  }
0x8a: {  	s1 =	ssub.s32 @!p0 $0x0, s1;
	[sflag:s0] =	ssyncset.done @!p0 $0x0  }
0x8b: {  	[sflag:s0] =	ssyncadd.s32 @!p0 s1  }
0x8c: {  	[bflag:$0x3] =	sbarrier.arrive $0xFFFF  }
0x8d: {  	_ =	shalt  }

</sc_bundles>
